<compile_context>
chip_gen: v7x
topology: tpu7x:2x2x1
jax: 0.10.2.dev20260603
libtpu: 0.0.44.dev20260713+nightly
codegen_flags: <defaults>
</compile_context>

<pallas_src>
import functools

import jax
import jax.numpy as jnp
from jax import lax
from jax.experimental import pallas as pl
from jax.experimental.pallas import tpu as pltpu
from jax.experimental.pallas import tpu_sc as plsc

VOCAB = 100000
D = 128
L = 200
B = 1024
NC = 2
NS = 16
NW = NC * NS
TOK = B * L
PER_W = TOK // NW
K = 128
NCH = PER_W // K

_mesh = plsc.VectorSubcoreMesh(
    core_axis_name="c", subcore_axis_name="s", num_cores=NC, num_subcores=NS
)


@functools.partial(
    pl.kernel,
    out_type=jax.ShapeDtypeStruct((TOK, D), jnp.float32),
    mesh=_mesh,
    scratch_types=[
        pltpu.VMEM((K,), jnp.int32),
        pltpu.VMEM((K, D), jnp.float32),
        pltpu.VMEM((L, D), jnp.float32),
        pltpu.SemaphoreType.DMA,
    ],
)
def _embed_sc(x_hbm, tok_hbm, pos_hbm, out_hbm, idx_v, rows_v, pos_v, sem):
    w = lax.axis_index("s") * NC + lax.axis_index("c")
    base = w * PER_W
    pltpu.sync_copy(pos_hbm.at[pl.ds(0, L)], pos_v)

    def chunk(c, carry):
        off = base + c * K
        pltpu.sync_copy(x_hbm.at[pl.ds(off, K)], idx_v)
        pltpu.async_copy(tok_hbm.at[idx_v], rows_v, sem).wait()
        l0 = lax.rem(c * K, L)

        def tok_body(t, carry2):
            l = lax.rem(l0 + t, L)
            for j in range(D // 16):
                s = pl.ds(j * 16, 16)
                rows_v[t, s] = rows_v[t, s] + pos_v[l, s]
            return carry2

        lax.fori_loop(0, K, tok_body, 0)
        pltpu.sync_copy(rows_v, out_hbm.at[pl.ds(off, K)])
        return carry

    lax.fori_loop(0, NCH, chunk, 0)


def kernel(x, token_table, pos_table):
    xf = x.reshape(-1).astype(jnp.int32)
    out = _embed_sc(xf, token_table, pos_table)
    return out.reshape(B, L, D)

# --- scband reference (transcript-rebuilt; emitter-appended) ---
"""Pipeline reference for scband-embeddings-34943853921010 (READ-ONLY COPY).

The authoritative reference and input builder live on the scoring server;
editing this copy changes nothing except your own understanding.
"""

import jax, jax.numpy as jnp
import numpy as np

VOCAB = 100000
EMBED_DIM = 128
CONTEXT_WINDOW = 2048
B = 1024
L = 200

def setup_inputs(seed: int = 0) -> dict:
    key = jax.random.key(seed)
    k1, k2, k3 = jax.random.split(key, 3)
    x = jax.random.randint(k1, (B, L), 0, VOCAB, dtype=jnp.int64 if jax.config.jax_enable_x64 else jnp.int32)
    token_table = jax.random.normal(k2, (VOCAB, EMBED_DIM), dtype=jnp.float32)
    pos_table = jax.random.normal(k3, (CONTEXT_WINDOW, EMBED_DIM), dtype=jnp.float32)
    return {"x": x, "token_table": token_table, "pos_table": pos_table}

def reference(x, token_table, pos_table):
    # tok_emb = self.token_embedding(x)
    tok_emb = jnp.take(token_table, x, axis=0)  # [B, L, D]
    # pos_emb = self.positional_encoding(torch.arange(num_token))
    num_token = x.shape[1]
    pos_emb = jnp.take(pos_table, jnp.arange(num_token), axis=0)  # [L, D]
    return tok_emb + pos_emb[None, :, :]

if __name__ == "__main__":
    import jax
    _d = setup_inputs()
    print(jax.jit(kernel)(*tuple(_d.values())))

</pallas_src>

<mosaic_0001>
#map = affine_map<(d0, d1) -> (0)>
#map1 = affine_map<(d0, d1) -> (0, 0)>
module attributes {stable_mosaic.version = 14 : i64} {
  func.func @_embed_sc(%arg0: i32, %arg1: i32, %arg2: memref<204800xi32, #tpu.memory_space<hbm>>, %arg3: memref<100000x128xf32, #tpu.memory_space<hbm>>, %arg4: memref<2048x128xf32, #tpu.memory_space<hbm>>, %arg5: memref<204800x128xf32, #tpu.memory_space<hbm>>, %arg6: memref<128xi32, #tpu.memory_space<vmem>>, %arg7: memref<128x128xf32, #tpu.memory_space<vmem>>, %arg8: memref<200x128xf32, #tpu.memory_space<vmem>>, %arg9: memref<!tpu.dma_semaphore, #tpu.memory_space<semaphore_mem>>) attributes {dimension_semantics = [#tpu.dimension_semantics<core_parallel>, #tpu.dimension_semantics<subcore_parallel>], iteration_bounds = array<i64: 2, 16>, scalar_prefetch = 0 : i64, scratch_operands = 4 : i64, tpu.core_type = #tpu.core_type<sc_vector_subcore>, window_params = [{transform_indices = #map}, {transform_indices = #map1}, {transform_indices = #map1}, {transform_indices = #map1}]} {
    %mul3A = arith.constant 2 : i32
    %mul3A_0 = arith.muli %arg1, %mul3A : i32
    %add3A = arith.addi %mul3A_0, %arg0 : i32
    %mul3A_1 = arith.constant 6400 : i32
    %mul3A_2 = arith.muli %add3A, %mul3A_1 : i32
    "tpu.region"() ({
      %run_scoped3A = tpu.sem_alloc : memref<!tpu.dma_semaphore, #tpu.memory_space<semaphore_mem>>
      %dma_start3A = arith.constant 0 : i32
      %dma_start3A_8 = arith.constant 0 : i32
      %dma_start3A_9 = tpu.memref_slice %arg4[%dma_start3A, %dma_start3A_8] : memref<2048x128xf32, #tpu.memory_space<hbm>> -> memref<200x128xf32, #tpu.memory_space<hbm>>
      %dma_start3A_10 = arith.constant 0 : i32
      %dma_start3A_11 = arith.constant 0 : i32
      %dma_start3A_12 = tpu.memref_slice %arg4[%dma_start3A_10, %dma_start3A_11] : memref<2048x128xf32, #tpu.memory_space<hbm>> -> memref<200x128xf32, #tpu.memory_space<hbm>>
      tpu.enqueue_dma source(%dma_start3A_12 : memref<200x128xf32, #tpu.memory_space<hbm>>) target(%arg8 : memref<200x128xf32, #tpu.memory_space<vmem>>) target_semaphore(%run_scoped3A : memref<!tpu.dma_semaphore, #tpu.memory_space<semaphore_mem>>)
      %dma_wait3A = arith.constant 0 : i32
      %dma_wait3A_13 = arith.constant 0 : i32
      %dma_wait3A_14 = tpu.memref_slice %arg4[%dma_wait3A, %dma_wait3A_13] : memref<2048x128xf32, #tpu.memory_space<hbm>> -> memref<200x128xf32, #tpu.memory_space<hbm>>
      %dma_wait3A_15 = arith.constant 0 : i32
      %dma_wait3A_16 = arith.constant 0 : i32
      %dma_wait3A_17 = tpu.memref_slice %arg4[%dma_wait3A_15, %dma_wait3A_16] : memref<2048x128xf32, #tpu.memory_space<hbm>> -> memref<200x128xf32, #tpu.memory_space<hbm>>
      tpu.wait_dma2 semaphore(%run_scoped3A : memref<!tpu.dma_semaphore, #tpu.memory_space<semaphore_mem>>) src(%dma_wait3A_17 : memref<200x128xf32, #tpu.memory_space<hbm>>) dst(%arg8 : memref<200x128xf32, #tpu.memory_space<vmem>>)
      tpu.yield
    }) : () -> ()
    %scan3A = arith.constant 0 : i32
    %scan3A_3 = arith.constant 0 : i32
    %scan3A_4 = arith.constant 50 : i32
    %scan3A_5 = arith.addi %scan3A_3, %scan3A_4 : i32
    %scan3A_6 = arith.constant 1 : i32
    scf.for %scan3A_8 = %scan3A_3 to %scan3A_5 step %scan3A_6  : i32 {
      %mul3A_9 = arith.constant 128 : i32
      %mul3A_10 = arith.muli %scan3A_8, %mul3A_9 : i32
      %add3A_11 = arith.addi %mul3A_2, %mul3A_10 : i32
      "tpu.region"() ({
        %run_scoped3A = tpu.sem_alloc : memref<!tpu.dma_semaphore, #tpu.memory_space<semaphore_mem>>
        %dma_start3A_25 = tpu.memref_slice %arg2[%add3A_11] : memref<204800xi32, #tpu.memory_space<hbm>> -> memref<128xi32, #tpu.memory_space<hbm>>
        %dma_start3A_26 = tpu.memref_slice %arg2[%add3A_11] : memref<204800xi32, #tpu.memory_space<hbm>> -> memref<128xi32, #tpu.memory_space<hbm>>
        tpu.enqueue_dma source(%dma_start3A_26 : memref<128xi32, #tpu.memory_space<hbm>>) target(%arg6 : memref<128xi32, #tpu.memory_space<vmem>>) target_semaphore(%run_scoped3A : memref<!tpu.dma_semaphore, #tpu.memory_space<semaphore_mem>>)
        %dma_wait3A_27 = tpu.memref_slice %arg2[%add3A_11] : memref<204800xi32, #tpu.memory_space<hbm>> -> memref<128xi32, #tpu.memory_space<hbm>>
        %dma_wait3A_28 = tpu.memref_slice %arg2[%add3A_11] : memref<204800xi32, #tpu.memory_space<hbm>> -> memref<128xi32, #tpu.memory_space<hbm>>
        tpu.wait_dma2 semaphore(%run_scoped3A : memref<!tpu.dma_semaphore, #tpu.memory_space<semaphore_mem>>) src(%dma_wait3A_28 : memref<128xi32, #tpu.memory_space<hbm>>) dst(%arg6 : memref<128xi32, #tpu.memory_space<vmem>>)
        tpu.yield
      }) : () -> ()
      %dma_start3A = arith.constant 0 : i32
      %dma_start3A_12 = arith.constant 0 : i32
      %dma_start3A_13 = tpu.memref_slice %arg3[%dma_start3A, %dma_start3A_12] : memref<100000x128xf32, #tpu.memory_space<hbm>> -> memref<100000x128xf32, #tpu.memory_space<hbm>>
      tpu.enqueue_indirect_dma source(%dma_start3A_13 : memref<100000x128xf32, #tpu.memory_space<hbm>>) target(%arg7 : memref<128x128xf32, #tpu.memory_space<vmem>>) offsets(%arg6 : memref<128xi32, #tpu.memory_space<vmem>>) semaphore(%arg9 : memref<!tpu.dma_semaphore, #tpu.memory_space<semaphore_mem>>)
      %dma_wait3A = arith.constant 0 : i32
      %dma_wait3A_14 = arith.constant 0 : i32
      %dma_wait3A_15 = tpu.memref_slice %arg3[%dma_wait3A, %dma_wait3A_14] : memref<100000x128xf32, #tpu.memory_space<hbm>> -> memref<100000x128xf32, #tpu.memory_space<hbm>>
      tpu.wait_indirect_dma semaphore(%arg9 : memref<!tpu.dma_semaphore, #tpu.memory_space<semaphore_mem>>) src(%dma_wait3A_15 : memref<100000x128xf32, #tpu.memory_space<hbm>>) dst(%arg7 : memref<128x128xf32, #tpu.memory_space<vmem>>)
      %mul3A_16 = arith.constant 128 : i32
      %mul3A_17 = arith.muli %scan3A_8, %mul3A_16 : i32
      %rem3A = arith.constant 200 : i32
      %rem3A_18 = arith.remsi %mul3A_17, %rem3A : i32
      %scan3A_19 = arith.constant 0 : i32
      %scan3A_20 = arith.constant 0 : i32
      %scan3A_21 = arith.constant 128 : i32
      %scan3A_22 = arith.addi %scan3A_20, %scan3A_21 : i32
      %scan3A_23 = arith.constant 1 : i32
      scf.for %scan3A_25 = %scan3A_20 to %scan3A_22 step %scan3A_23  : i32 {
        %add3A_26 = arith.addi %rem3A_18, %scan3A_25 : i32
        %rem3A_27 = arith.constant 200 : i32
        %rem3A_28 = arith.remsi %add3A_26, %rem3A_27 : i32
        %get3A = arith.index_cast %scan3A_25 : i32 to index
        %get3A_29 = arith.constant 0 : index
        %get3A_30 = tpu.vector_load %arg7[%get3A, %get3A_29] {strides = array<i32>} : memref<128x128xf32, #tpu.memory_space<vmem>>, vector<1x16xf32>,
        %get3A_31 = vector.shape_cast %get3A_30 : vector<1x16xf32> to vector<16xf32>
        %get3A_32 = arith.index_cast %rem3A_28 : i32 to index
        %get3A_33 = arith.constant 0 : index
        %get3A_34 = tpu.vector_load %arg8[%get3A_32, %get3A_33] {strides = array<i32>} : memref<200x128xf32, #tpu.memory_space<vmem>>, vector<1x16xf32>,
        %get3A_35 = vector.shape_cast %get3A_34 : vector<1x16xf32> to vector<16xf32>
        %add3A_36 = arith.addf %get3A_31, %get3A_35 : vector<16xf32>
        %swap3A = arith.index_cast %scan3A_25 : i32 to index
        %swap3A_37 = arith.constant 0 : index
        %swap3A_38 = tpu.vector_load %arg7[%swap3A, %swap3A_37] {strides = array<i32>} : memref<128x128xf32, #tpu.memory_space<vmem>>, vector<1x16xf32>,
        %swap3A_39 = vector.shape_cast %swap3A_38 : vector<1x16xf32> to vector<16xf32>
        %swap3A_40 = vector.shape_cast %add3A_36 : vector<16xf32> to vector<1x16xf32>
        tpu.vector_store %arg7[%swap3A, %swap3A_37], %swap3A_40 {strides = array<i32>} : memref<128x128xf32, #tpu.memory_space<vmem>>, vector<1x16xf32>,
        %get3A_41 = arith.index_cast %scan3A_25 : i32 to index
        %get3A_42 = arith.constant 16 : index
        %get3A_43 = tpu.vector_load %arg7[%get3A_41, %get3A_42] {strides = array<i32>} : memref<128x128xf32, #tpu.memory_space<vmem>>, vector<1x16xf32>,
        %get3A_44 = vector.shape_cast %get3A_43 : vector<1x16xf32> to vector<16xf32>
        %get3A_45 = arith.index_cast %rem3A_28 : i32 to index
        %get3A_46 = arith.constant 16 : index
        %get3A_47 = tpu.vector_load %arg8[%get3A_45, %get3A_46] {strides = array<i32>} : memref<200x128xf32, #tpu.memory_space<vmem>>, vector<1x16xf32>,
        %get3A_48 = vector.shape_cast %get3A_47 : vector<1x16xf32> to vector<16xf32>
        %add3A_49 = arith.addf %get3A_44, %get3A_48 : vector<16xf32>
        %swap3A_50 = arith.index_cast %scan3A_25 : i32 to index
        %swap3A_51 = arith.constant 16 : index
        %swap3A_52 = tpu.vector_load %arg7[%swap3A_50, %swap3A_51] {strides = array<i32>} : memref<128x128xf32, #tpu.memory_space<vmem>>, vector<1x16xf32>,
        %swap3A_53 = vector.shape_cast %swap3A_52 : vector<1x16xf32> to vector<16xf32>
        %swap3A_54 = vector.shape_cast %add3A_49 : vector<16xf32> to vector<1x16xf32>
        tpu.vector_store %arg7[%swap3A_50, %swap3A_51], %swap3A_54 {strides = array<i32>} : memref<128x128xf32, #tpu.memory_space<vmem>>, vector<1x16xf32>,
        %get3A_55 = arith.index_cast %scan3A_25 : i32 to index
        %get3A_56 = arith.constant 32 : index
        %get3A_57 = tpu.vector_load %arg7[%get3A_55, %get3A_56] {strides = array<i32>} : memref<128x128xf32, #tpu.memory_space<vmem>>, vector<1x16xf32>,
        %get3A_58 = vector.shape_cast %get3A_57 : vector<1x16xf32> to vector<16xf32>
        %get3A_59 = arith.index_cast %rem3A_28 : i32 to index
        %get3A_60 = arith.constant 32 : index
        %get3A_61 = tpu.vector_load %arg8[%get3A_59, %get3A_60] {strides = array<i32>} : memref<200x128xf32, #tpu.memory_space<vmem>>, vector<1x16xf32>,
        %get3A_62 = vector.shape_cast %get3A_61 : vector<1x16xf32> to vector<16xf32>
        %add3A_63 = arith.addf %get3A_58, %get3A_62 : vector<16xf32>
        %swap3A_64 = arith.index_cast %scan3A_25 : i32 to index
        %swap3A_65 = arith.constant 32 : index
        %swap3A_66 = tpu.vector_load %arg7[%swap3A_64, %swap3A_65] {strides = array<i32>} : memref<128x128xf32, #tpu.memory_space<vmem>>, vector<1x16xf32>,
        %swap3A_67 = vector.shape_cast %swap3A_66 : vector<1x16xf32> to vector<16xf32>
        %swap3A_68 = vector.shape_cast %add3A_63 : vector<16xf32> to vector<1x16xf32>
        tpu.vector_store %arg7[%swap3A_64, %swap3A_65], %swap3A_68 {strides = array<i32>} : memref<128x128xf32, #tpu.memory_space<vmem>>, vector<1x16xf32>,
        %get3A_69 = arith.index_cast %scan3A_25 : i32 to index
        %get3A_70 = arith.constant 48 : index
        %get3A_71 = tpu.vector_load %arg7[%get3A_69, %get3A_70] {strides = array<i32>} : memref<128x128xf32, #tpu.memory_space<vmem>>, vector<1x16xf32>,
        %get3A_72 = vector.shape_cast %get3A_71 : vector<1x16xf32> to vector<16xf32>
        %get3A_73 = arith.index_cast %rem3A_28 : i32 to index
        %get3A_74 = arith.constant 48 : index
        %get3A_75 = tpu.vector_load %arg8[%get3A_73, %get3A_74] {strides = array<i32>} : memref<200x128xf32, #tpu.memory_space<vmem>>, vector<1x16xf32>,
        %get3A_76 = vector.shape_cast %get3A_75 : vector<1x16xf32> to vector<16xf32>
        %add3A_77 = arith.addf %get3A_72, %get3A_76 : vector<16xf32>
        %swap3A_78 = arith.index_cast %scan3A_25 : i32 to index
        %swap3A_79 = arith.constant 48 : index
        %swap3A_80 = tpu.vector_load %arg7[%swap3A_78, %swap3A_79] {strides = array<i32>} : memref<128x128xf32, #tpu.memory_space<vmem>>, vector<1x16xf32>,
        %swap3A_81 = vector.shape_cast %swap3A_80 : vector<1x16xf32> to vector<16xf32>
        %swap3A_82 = vector.shape_cast %add3A_77 : vector<16xf32> to vector<1x16xf32>
        tpu.vector_store %arg7[%swap3A_78, %swap3A_79], %swap3A_82 {strides = array<i32>} : memref<128x128xf32, #tpu.memory_space<vmem>>, vector<1x16xf32>,
        %get3A_83 = arith.index_cast %scan3A_25 : i32 to index
        %get3A_84 = arith.constant 64 : index
        %get3A_85 = tpu.vector_load %arg7[%get3A_83, %get3A_84] {strides = array<i32>} : memref<128x128xf32, #tpu.memory_space<vmem>>, vector<1x16xf32>,
        %get3A_86 = vector.shape_cast %get3A_85 : vector<1x16xf32> to vector<16xf32>
        %get3A_87 = arith.index_cast %rem3A_28 : i32 to index
        %get3A_88 = arith.constant 64 : index
        %get3A_89 = tpu.vector_load %arg8[%get3A_87, %get3A_88] {strides = array<i32>} : memref<200x128xf32, #tpu.memory_space<vmem>>, vector<1x16xf32>,
        %get3A_90 = vector.shape_cast %get3A_89 : vector<1x16xf32> to vector<16xf32>
        %add3A_91 = arith.addf %get3A_86, %get3A_90 : vector<16xf32>
        %swap3A_92 = arith.index_cast %scan3A_25 : i32 to index
        %swap3A_93 = arith.constant 64 : index
        %swap3A_94 = tpu.vector_load %arg7[%swap3A_92, %swap3A_93] {strides = array<i32>} : memref<128x128xf32, #tpu.memory_space<vmem>>, vector<1x16xf32>,
        %swap3A_95 = vector.shape_cast %swap3A_94 : vector<1x16xf32> to vector<16xf32>
        %swap3A_96 = vector.shape_cast %add3A_91 : vector<16xf32> to vector<1x16xf32>
        tpu.vector_store %arg7[%swap3A_92, %swap3A_93], %swap3A_96 {strides = array<i32>} : memref<128x128xf32, #tpu.memory_space<vmem>>, vector<1x16xf32>,
        %get3A_97 = arith.index_cast %scan3A_25 : i32 to index
        %get3A_98 = arith.constant 80 : index
        %get3A_99 = tpu.vector_load %arg7[%get3A_97, %get3A_98] {strides = array<i32>} : memref<128x128xf32, #tpu.memory_space<vmem>>, vector<1x16xf32>,
        %get3A_100 = vector.shape_cast %get3A_99 : vector<1x16xf32> to vector<16xf32>
        %get3A_101 = arith.index_cast %rem3A_28 : i32 to index
        %get3A_102 = arith.constant 80 : index
        %get3A_103 = tpu.vector_load %arg8[%get3A_101, %get3A_102] {strides = array<i32>} : memref<200x128xf32, #tpu.memory_space<vmem>>, vector<1x16xf32>,
        %get3A_104 = vector.shape_cast %get3A_103 : vector<1x16xf32> to vector<16xf32>
        %add3A_105 = arith.addf %get3A_100, %get3A_104 : vector<16xf32>
        %swap3A_106 = arith.index_cast %scan3A_25 : i32 to index
        %swap3A_107 = arith.constant 80 : index
        %swap3A_108 = tpu.vector_load %arg7[%swap3A_106, %swap3A_107] {strides = array<i32>} : memref<128x128xf32, #tpu.memory_space<vmem>>, vector<1x16xf32>,
        %swap3A_109 = vector.shape_cast %swap3A_108 : vector<1x16xf32> to vector<16xf32>
        %swap3A_110 = vector.shape_cast %add3A_105 : vector<16xf32> to vector<1x16xf32>
        tpu.vector_store %arg7[%swap3A_106, %swap3A_107], %swap3A_110 {strides = array<i32>} : memref<128x128xf32, #tpu.memory_space<vmem>>, vector<1x16xf32>,
        %get3A_111 = arith.index_cast %scan3A_25 : i32 to index
        %get3A_112 = arith.constant 96 : index
        %get3A_113 = tpu.vector_load %arg7[%get3A_111, %get3A_112] {strides = array<i32>} : memref<128x128xf32, #tpu.memory_space<vmem>>, vector<1x16xf32>,
        %get3A_114 = vector.shape_cast %get3A_113 : vector<1x16xf32> to vector<16xf32>
        %get3A_115 = arith.index_cast %rem3A_28 : i32 to index
        %get3A_116 = arith.constant 96 : index
        %get3A_117 = tpu.vector_load %arg8[%get3A_115, %get3A_116] {strides = array<i32>} : memref<200x128xf32, #tpu.memory_space<vmem>>, vector<1x16xf32>,
        %get3A_118 = vector.shape_cast %get3A_117 : vector<1x16xf32> to vector<16xf32>
        %add3A_119 = arith.addf %get3A_114, %get3A_118 : vector<16xf32>
        %swap3A_120 = arith.index_cast %scan3A_25 : i32 to index
        %swap3A_121 = arith.constant 96 : index
        %swap3A_122 = tpu.vector_load %arg7[%swap3A_120, %swap3A_121] {strides = array<i32>} : memref<128x128xf32, #tpu.memory_space<vmem>>, vector<1x16xf32>,
        %swap3A_123 = vector.shape_cast %swap3A_122 : vector<1x16xf32> to vector<16xf32>
        %swap3A_124 = vector.shape_cast %add3A_119 : vector<16xf32> to vector<1x16xf32>
        tpu.vector_store %arg7[%swap3A_120, %swap3A_121], %swap3A_124 {strides = array<i32>} : memref<128x128xf32, #tpu.memory_space<vmem>>, vector<1x16xf32>,
        %get3A_125 = arith.index_cast %scan3A_25 : i32 to index
        %get3A_126 = arith.constant 112 : index
        %get3A_127 = tpu.vector_load %arg7[%get3A_125, %get3A_126] {strides = array<i32>} : memref<128x128xf32, #tpu.memory_space<vmem>>, vector<1x16xf32>,
        %get3A_128 = vector.shape_cast %get3A_127 : vector<1x16xf32> to vector<16xf32>
        %get3A_129 = arith.index_cast %rem3A_28 : i32 to index
        %get3A_130 = arith.constant 112 : index
        %get3A_131 = tpu.vector_load %arg8[%get3A_129, %get3A_130] {strides = array<i32>} : memref<200x128xf32, #tpu.memory_space<vmem>>, vector<1x16xf32>,
        %get3A_132 = vector.shape_cast %get3A_131 : vector<1x16xf32> to vector<16xf32>
        %add3A_133 = arith.addf %get3A_128, %get3A_132 : vector<16xf32>
        %swap3A_134 = arith.index_cast %scan3A_25 : i32 to index
        %swap3A_135 = arith.constant 112 : index
        %swap3A_136 = tpu.vector_load %arg7[%swap3A_134, %swap3A_135] {strides = array<i32>} : memref<128x128xf32, #tpu.memory_space<vmem>>, vector<1x16xf32>,
        %swap3A_137 = vector.shape_cast %swap3A_136 : vector<1x16xf32> to vector<16xf32>
        %swap3A_138 = vector.shape_cast %add3A_133 : vector<16xf32> to vector<1x16xf32>
        tpu.vector_store %arg7[%swap3A_134, %swap3A_135], %swap3A_138 {strides = array<i32>} : memref<128x128xf32, #tpu.memory_space<vmem>>, vector<1x16xf32>,
      }
      %scan3A_24 = arith.constant 128 : i32
      "tpu.region"() ({
        %run_scoped3A = tpu.sem_alloc : memref<!tpu.dma_semaphore, #tpu.memory_space<semaphore_mem>>
        %dma_start3A_25 = arith.constant 0 : i32
        %dma_start3A_26 = tpu.memref_slice %arg5[%add3A_11, %dma_start3A_25] : memref<204800x128xf32, #tpu.memory_space<hbm>> -> memref<128x128xf32, #tpu.memory_space<hbm>>
        %dma_start3A_27 = arith.constant 0 : i32
        %dma_start3A_28 = tpu.memref_slice %arg5[%add3A_11, %dma_start3A_27] : memref<204800x128xf32, #tpu.memory_space<hbm>> -> memref<128x128xf32, #tpu.memory_space<hbm>>
        tpu.enqueue_dma source(%arg7 : memref<128x128xf32, #tpu.memory_space<vmem>>) target(%dma_start3A_28 : memref<128x128xf32, #tpu.memory_space<hbm>>) target_semaphore(%run_scoped3A : memref<!tpu.dma_semaphore, #tpu.memory_space<semaphore_mem>>)
        %dma_wait3A_29 = arith.constant 0 : i32
        %dma_wait3A_30 = tpu.memref_slice %arg5[%add3A_11, %dma_wait3A_29] : memref<204800x128xf32, #tpu.memory_space<hbm>> -> memref<128x128xf32, #tpu.memory_space<hbm>>
        %dma_wait3A_31 = arith.constant 0 : i32
        %dma_wait3A_32 = tpu.memref_slice %arg5[%add3A_11, %dma_wait3A_31] : memref<204800x128xf32, #tpu.memory_space<hbm>> -> memref<128x128xf32, #tpu.memory_space<hbm>>
        tpu.wait_dma2 semaphore(%run_scoped3A : memref<!tpu.dma_semaphore, #tpu.memory_space<semaphore_mem>>) src(%arg7 : memref<128x128xf32, #tpu.memory_space<vmem>>) dst(%dma_wait3A_32 : memref<128x128xf32, #tpu.memory_space<hbm>>)
        tpu.yield
      }) : () -> ()
    }
    %scan3A_7 = arith.constant 50 : i32
    return
  }
}

</mosaic_0001>

<sc_bundles>
// kernel: kernel.3.cloned.1.call-start
scs
__scs_entry_jumppad:
0x0: {  	(pc) =	sbr.rel $0x88, $3  }
0x1: {  	(tag) =	ssettag $0x0;
	lr =	simm.s32 $0x1  }
0x2: {  	[smem:$0x3F9E] =	sst lr;
	_ =	strace $0xD0000000  }
0x3: {  	_ = 	snop  }
0x4: {  	_ = 	snop  }
0x5: {  	_ = 	snop  }
0x6: {  	_ = 	snop  }
0x7: {  	_ = 	snop  }
__scs_overlays_trampoline_lowered:
0x8: {  	[smem:$0x3FAD] =	sst s0  }
0x9: {  	[smem:$0x3FAE] =	sst s1  }
0xa: {  	[smem:$0x3FAF] =	sst s2  }
0xb: {  	[smem:$0x3FB0] =	sst s3  }
0xc: {  	[smem:$0x3FB1] =	sst s4  }
0xd: {  	[smem:$0x3FB2] =	sst s5  }
0xe: {  	[smem:$0x3FB3] =	sst s6  }
0xf: {  	[smem:$0x3FB4] =	sst s7  }
0x10: {  	[smem:$0x3FB5] =	sst s8  }
0x11: {  	[smem:$0x3FB6] =	sst s9;
	s0 =	simm.s32 @!p0 $0x0  }
0x12: {  	s1 =	sld [smem:$0x3F9C];
	s0 =	simm.s32 @p0 $0x1  }
0x13: {  	[smem:$0x3FB7] =	sst s0;
	s0 =	simm.s32 @!p1 $0x0  }
0x14: {  	s2 =	sld [smem:$0x3F9B];
	s0 =	simm.s32 @p1 $0x1  }
0x15: {  	[smem:$0x3FB8] =	sst s0;
	s0 =	simm.s32 @!p2 $0x0  }
0x16: {  	s3 =	sld [smem:$0x3FDB];
	s0 =	simm.s32 @p2 $0x1  }
0x17: {  	s4 =	simm.s32 $0x1BF5;
	[smem:$0x3FBA] =	sst s0  }
0x18: {  	s0 =	sld [smem:$0x3F9D];
	_ =	swait.ge [sflag:s4], $0x0  }
0x19: {  	s7 =	sld [smem:$0x3F9E]  }
0x1a: {  	s8 =	sadd.s32 $0xFFFFE003, lr  }
0x1b: {  	s9 =	sadd.s32 $0xFFFFFEF7, lr;
	s5 =	simm.s32 $0xFFFFFFFF;
	p2 =	slt.u32 s8, $0xFFFFF086  }
0x1c: {  	p1 =	slt.u32 s9, $0xF7A;
	s5 =	simm.s32 @!p2 $0x0  }
0x1d: {  	s5 =	simm.s32 @p1 $0x1;
	p0 =	seq.s32 s7, s2  }
0x1e: {  	s7 =	smul.u32 @!p0 $0xF7A, s2;
	p2 =	seq.s32 @!p0 s5, $0x0  }
0x1f: {  	s9 =	smul.u32 $0xF7A, s1;
	s8 =	simm.s32 @!p0 $0x1BF5;
	p2 =	por !p2, p0  }
0x20: {  	[sflag:s8] =	ssyncset.s32 @!p0 $0xFFFFF086;
	s6 =	sadd.s32 @!p0 s3, s7;
	s7 =	simm.s32 @!p0 $0x108  }
0x21: {  	s3 =	sadd.s32 s3, s9;
	s6 =	sadd.s32 @!p0 $0x88, s6;
	s7 =	simm.s32 @p2 $0x1082  }
0x22: {  	[simem:s7], [sflag:s8] =	dma.local @!p0 [hbm:s6], $0xF7A  }
0x23: {  	s9 =	sor.u32 $0xD0000000, s2;
	s6 =	simm.s32 $0x108;
	_ =	swait.ge @!p0 [sflag:s8], $0x0  }
0x24: {  	s3 =	sadd.s32 $0x88, s3;
	s6 =	simm.s32 @!p1 $0x1082;
	[sflag:s4] =	ssyncset.s32 $0xFFFFF086  }
0x25: {  	[simem:s6], [sflag:s4] =	dma.local [hbm:s3], $0xF7A  }
0x26: {  	[smem:$0x3F9E] =	sst s1;
	(tag) =	ssettag s2;
	_ =	strace s9  }
0x27: {  	s1 =	sld [smem:$0x3FAE]  }
0x28: {  	s2 =	sld [smem:$0x3FAF]  }
0x29: {  	s4 =	sld [smem:$0x3FB1]  }
0x2a: {  	p0 =	seq.s32 s5, $0x0;
	s5 =	sld [smem:$0x3FB2]  }
0x2b: {  	s6 =	sld [smem:$0x3FB3]  }
0x2c: {  	s7 =	sld [smem:$0x3FB4]  }
0x2d: {  	s3 =	simm.s32 $0x108;
	s8 =	sld [smem:$0x3FB5]  }
0x2e: {  	s3 =	simm.s32 @!p0 $0x1082;
	s9 =	sld [smem:$0x3FB6]  }
0x2f: {  	lr =	sadd.s32 s0, s3;
	s0 =	sld [smem:$0x3FAD]  }
0x30: {  	s3 =	sld [smem:$0x3FB0]  }
0x31: {  	[smem:$0x3FB9] =	sst s10  }
0x32: {  	s10 =	sld [smem:$0x3FB7];
	_ =	sdelay $0x3  }
0x33: {  	p0 =	seq.s32 s10, $0x1;
	s10 =	sld [smem:$0x3FB9];
	_ =	sdelay $0x3  }
0x34: {  	[smem:$0x3FB9] =	sst s10  }
0x35: {  	s10 =	sld [smem:$0x3FB8];
	_ =	sdelay $0x3  }
0x36: {  	p1 =	seq.s32 s10, $0x1;
	s10 =	sld [smem:$0x3FB9];
	_ =	sdelay $0x3  }
0x37: {  	[smem:$0x3FB9] =	sst s10  }
0x38: {  	s10 =	sld [smem:$0x3FBA]  }
0x39: {  	_ = 	snop;
	(pc) =	sbr.ind lr, $3  }
0x3a: {  	_ = 	snop  }
0x3b: {  	_ = 	snop  }
0x3c: {  	p2 =	seq.s32 s10, $0x1;
	s10 =	sld [smem:$0x3FB9]  }
0x3d: {  	_ =	shalt  }
0x3e: {  	_ =	shalt  }
0x3f: {  	_ =	shalt  }
0x40: {  	_ =	shalt  }
0x41: {  	_ =	shalt  }
0x42: {  	_ =	shalt  }
0x43: {  	_ =	shalt  }
0x44: {  	_ =	shalt  }
0x45: {  	_ =	shalt  }
0x46: {  	_ =	shalt  }
0x47: {  	_ =	shalt  }
0x48: {  	_ =	shalt  }
0x49: {  	_ =	shalt  }
0x4a: {  	_ =	shalt  }
0x4b: {  	_ =	shalt  }
0x4c: {  	_ =	shalt  }
0x4d: {  	_ =	shalt  }
0x4e: {  	_ =	shalt  }
0x4f: {  	_ =	shalt  }
0x50: {  	_ =	shalt  }
0x51: {  	_ =	shalt  }
0x52: {  	_ =	shalt  }
0x53: {  	_ =	shalt  }
0x54: {  	_ =	shalt  }
0x55: {  	_ =	shalt  }
0x56: {  	_ =	shalt  }
0x57: {  	_ =	shalt  }
0x58: {  	_ =	shalt  }
0x59: {  	_ =	shalt  }
0x5a: {  	_ =	shalt  }
0x5b: {  	_ =	shalt  }
0x5c: {  	_ =	shalt  }
0x5d: {  	_ =	shalt  }
0x5e: {  	_ =	shalt  }
0x5f: {  	_ =	shalt  }
0x60: {  	_ =	shalt  }
0x61: {  	_ =	shalt  }
0x62: {  	_ =	shalt  }
0x63: {  	_ =	shalt  }
0x64: {  	_ =	shalt  }
0x65: {  	_ =	shalt  }
0x66: {  	_ =	shalt  }
0x67: {  	_ =	shalt  }
0x68: {  	_ =	shalt  }
0x69: {  	_ =	shalt  }
0x6a: {  	_ =	shalt  }
0x6b: {  	_ =	shalt  }
0x6c: {  	_ =	shalt  }
0x6d: {  	_ =	shalt  }
0x6e: {  	_ =	shalt  }
0x6f: {  	_ =	shalt  }
0x70: {  	_ =	shalt  }
0x71: {  	_ =	shalt  }
0x72: {  	_ =	shalt  }
0x73: {  	_ =	shalt  }
0x74: {  	_ =	shalt  }
0x75: {  	_ =	shalt  }
0x76: {  	_ =	shalt  }
0x77: {  	_ =	shalt  }
0x78: {  	_ =	shalt  }
0x79: {  	_ =	shalt  }
0x7a: {  	_ =	shalt  }
0x7b: {  	_ =	shalt  }
0x7c: {  	_ =	shalt  }
0x7d: {  	_ =	shalt  }
0x7e: {  	_ =	shalt  }
0x7f: {  	_ =	shalt  }
0x80: {  	_ =	shalt  }
0x81: {  	_ =	shalt  }
0x82: {  	_ =	shalt  }
0x83: {  	_ =	shalt  }
0x84: {  	_ =	shalt  }
0x85: {  	_ =	shalt  }
0x86: {  	_ =	shalt  }
0x87: {  	_ =	shalt  }
.Lfunc_end0:
.L_simem_size_0:
called_computation_lowered:
.L_overlay_start_0:
0x88: {  	s2 =	sld [smem:$0x3FD9]  }
0x89: {  	s3 =	sld [smem:$0x3FFE];
	_ =	sdelay $0x1  }
0x8a: {  	s1 =	srdreg.scid  }
0x8b: {  	s0 =	sand.u32 $0x1, s1  }
0x8c: {  	s17 =	sshll.u32 s0, $0xA;
	s2 =	sadd.s32 s3, s2  }
0x8d: {  	s2 =	sadd.s32 s2, s17  }
0x8e: {  	[smem:$0x3FC5] =	sst s2  }
0x8f: {  	_ = 	snop  }
0x90: {  	s2 =	sld [smem:$0x3FC8]  }
0x91: {  	s18 =	sld [smem:$0x3FC7]  }
0x92: {  	s4 =	sld [smem:$0x3FD0];
	(tm) =	ssettm $0x1  }
0x93: {  	s5 =	sld [smem:$0x3FFB];
	_ =	sdelay $0x3  }
0x94: {  	_ =	strace s5  }
0x95: {  	s5 =	sld [smem:$0x3FFC];
	_ =	sdelay $0x3  }
0x96: {  	_ =	strace s5  }
0x97: {  	s5 =	sld [smem:$0x3FFD];
	_ =	sdelay $0x3  }
0x98: {  	_ =	strace s5  }
0x99: {  	_ =	strace $0x8FFFFFFF  }
0x9a: {  	s19 =	sld [smem:$0x3FDB];
	_ =	sdelay $0x1  }
0x9b: {  	s6 =	simm.s32 $_scs_section_size  }
0x9c: {  	s7 =	simm.s32 $_size__tile_overlayer_lowered;
	s8 =	simm.s32 $_tile_overlayer_lowered  }
0x9d: {  	s22 =	simm.s32 $0x1BFF;
	s21 =	sshll.u32 s8, $0x1;
	s5 =	sadd.s32 s6, s19  }
0x9e: {  	s9 =	simm.s32 $0x0;
	s20 =	sshll.u32 s7, $0x1;
	s7 =	sadd.s32 s21, s5  }
0x9f: {  	[timem:s9], [sflag:s22] =	dma.local [hbm:s7], s20  }
0xa0: {  	_ =	swait.ge [sflag:s22], s20  }
0xa1: {  	s6 =	ssub.s32 $0x0, s20;
	[sflag:s22] =	ssyncset.done $0x0  }
0xa2: {  	[sflag:s22] =	ssyncadd.s32 s6;
	_ =	sdelay $0x1  }
0xa3: {  	s23 =	simm.s32 $0x1B8B  }
0xa4: {  	_ =	swait.ge [sflag:s23], $0x1  }
0xa5: {  	[sflag:s23] =	ssyncset.done $0x0  }
0xa6: {  	s25 =	simm.s32 $0x1B8E;
	s24 =	sld [smem:$0x3FFE];
	[sflag:s23] =	ssyncadd.s32 $0xFFFFFFFF  }
0xa7: {  	s26 =	simm.s32 $execute0_lowered;
	[smem:$0x3FD2] =	sst s25  }
0xa8: {  	s7 =	sshll.u32 s26, $0x1;
	_ =	strace $0x80000046;
	[dreg:$0x1] =	wrdreg $0xFFFFFFFF  }
0xa9: {  	s28 =	simm.s32 $_size_execute0_lowered;
	s5 =	sadd.s32 s5, s7;
	[dreg:$0x0] =	wrdreg $0x0  }
0xaa: {  	s7 =	sshll.u32 s28, $0x1;
	[dreg:$0x2] =	wrdreg s5  }
0xab: {  	[dreg:$0x3] =	wrdreg s7  }
0xac: {  	[dreg:$0x4] =	wrdreg $0xC0  }
0xad: {  	_ =	task [dreg:s9], $0x5FFFF  }
0xae: {  	[dreg:$0x1] =	wrdreg $0xFFFFFFFF  }
0xaf: {  	[dreg:$0x0] =	wrdreg $0x60  }
0xb0: {  	[dreg:$0x2] =	wrdreg s24  }
0xb1: {  	[dreg:$0x3] =	wrdreg s2  }
0xb2: {  	[dreg:$0x4] =	wrdreg s18  }
0xb3: {  	[dreg:$0x5] =	wrdreg s4  }
0xb4: {  	[dreg:$0x6] =	wrdreg $0x9  }
0xb5: {  	_ =	task.clear_ibuf [dreg:s9], $0x7FFFF;
	_ =	strace $0x90000046  }
0xb6: {  	s29 =	simm.s32 $0x9;
	_ =	strace $0x80000048  }
0xb7: {  	_ =	swait.ge [sflag:s29], $0x1  }
0xb8: {  	[sflag:s29] =	ssyncadd.s32 $0xFFFFFFFF  }
0xb9: {  	_ =	strace $0x90000048  }
0xba: {  	_ =	sfence  }
0xbb: {  	s30 =	sld [smem:$0x0];
	_ =	sdelay $0x2  }
0xbc: {  	s31 =	sshll.u32 s1, $0xD;
	s1 =	sshrl.u32 s1, $0x2  }
0xbd: {  	s3 =	sand.u32 $0x4000, s31;
	s1 =	sadd.s32 s1, s30  }
0xbe: {  	s0 =	sor.u32 s3, s0;
	s1 =	sshll.u32 s1, $0x11  }
0xbf: {  	s0 =	sor.u32 s1, s0  }
0xc0: {  	s0 =	sadd.s32 $0x8F2B, s0  }
0xc1: {  	[sflag:s0] =	ssyncadd.remote.s32 $0x1  }
0xc2: {  	_ =	sfence.sel $0xFFFF  }
0xc3: {  	[dreg:$0x0] =	wrdreg $0xFFFFFFFF;
	(pc) =	sbr.abs _section_cstart, $3  }
0xc4: {  	[dreg:$0x1] =	wrdreg $0xFFFFFFFF  }
0xc5: {  	_ =	task.clear_ibuf [dreg:s9], $0x2FFFF;
	_ =	strace $0x9FFFFFFF  }
0xc6: {  	(tm) =	ssettm $0x7FFFFFFF  }
0xc7: {  	_ =	shalt  }
tec
execute0_lowered:
.L_overlay_start_1:
0x0: {  	(tag) =	ssettag $0x1  }
0x1: {  	s6 =	rddreg [dreg:$0x0]  }
0x2: {  	s1 =	rddreg [dreg:$0x1]  }
0x3: {  	s2 =	rddreg [dreg:$0x2]  }
0x4: {  	s4 =	rddreg [dreg:$0x3]  }
0x5: {  	s0 =	rddreg [dreg:$0x4];
	s7 =	srdreg.scid  }
0x6: {  	s5 =	simm.s32 $0x0;
	s3 =	stileid.u32;
	s11 =	simm.s32 $0x80  }
0x7: {  	s12 =	simm.s32 $0x1;
	s13 =	simm.s32 $0x0;
	s7 =	sand.u32 $0x1, s7  }
0x8: {  	[smem:$0x7FF] =	sst s5;
	s9 =	sshll.u32 s3, $0x1;
	s8 =	ssub.s32 $0x2, s7  }
0x9: {  	s6 =	sadd.s32 $0x400, s6;
	_ =	strace $0x80000047;
	s10 =	sshrl.u32 s8, $0x1  }
0xa: {  	s7 =	sor.u32 s7, s9;
	s9 =	simm.s32 $0x4080;
	s8 =	ssub.s32 s8, s10  }
0xb: {  	s7 =	smul.u32 $0x1900, s7;
	s10 =	simm.s32 $0x2;
	s8 =	smax.u32 s8, $0x1  }
.LBB2_1:
0xc: {  	[tilespmem:s9], [sflag:$0x2] =	stream.linear.gather [hbm4b:s2+s5], $0x6400, $0x38;
	[tilespmem:$0xA480] =	vst v63  }
0xd: {  	_ =	swait.ge [sflag:s10], $0x6400  }
0xe: {  	s14 =	simm.s32 $0x0;
	[sflag:s10] =	ssyncset.done $0x0  }
0xf: {  	s15 =	simm.s32 $0x0;
	s16 =	simm.s32 $0x0;
	[sflag:s10] =	ssyncadd.s32 $0xFFFF9C00  }
.LBB2_2:
0x10: {  	s17 =	smulhi.u32 $0x51EB851F, s15;
	_ =	sdelay $0x1  }
0x11: {  	s28 =	sshll.u32 s16, $0x7;
	s18 =	sshrl.u32 s17, $0x6  }
0x12: {  	s17 =	sadd.s32 s7, s28;
	s19 =	smul.u32 $0xC8, s18  }
0x13: {  	s21 =	simm.s32 $0x0;
	s20 =	sshrl.u32 s17, $0x3  }
0x14: {  	s18 =	smul.u32 $0xFFFE7000, s18;
	s20 =	sadd.s32 s6, s20;
	s19 =	ssub.s32 s15, s19  }
0x15: {  	[tilespmem:s21], [sflag:$0x2] =	stream.linear.gather [hbm4b:s20+s21], $0x80, $0x38;
	[tilespmem:$0xA480] =	vst v63  }
0x16: {  	s29 =	smulhi.u32 $0x51EB851F, s19  }
0x17: {  	s18 =	sshra.s32 s18, $0x2;
	_ =	swait.ge [sflag:s10], $0x80  }
0x18: {  	s18 =	sadd.s32 $0x4080, s18;
	[sflag:s10] =	ssyncset.done $0x0;
	s20 =	sshrl.u32 s29, $0x6  }
0x19: {  	v0 =	vmov s18;
	[sflag:s10] =	ssyncadd.s32 $0xFFFFFF80;
	s30 =	smul.u32 $0x19000, s20  }
0x1a: {  	[tilespmem:s11], [sflag:$0x1] =	stream.indirect.gather [hbm4b:s1+s11], $0x80, s21, s11, $0xb8;
	[tilespmem:$0xA480] =	vst v63  }
0x1b: {  	_ =	swait.ge [sflag:s12], $0x4000;
	s18 =	ssub.s32 s14, s30  }
0x1c: {  	[sflag:s12] =	ssyncset.done $0x0;
	s18 =	sadd.s32 $0x0, s18  }
0x1d: {  	[sflag:s12] =	ssyncadd.s32 $0xFFFFC000;
	s31 =	sshra.s32 s18, $0x2  }
0x1e: {  	s18 =	simm.s32 $0x0;
	v1 =	vld.idx.msk [tilespmem:v0+s31+$0x0 ss:$0x1], $0xffff  }
0x1f: {  	v2 =	vld [tilespmem:s18+$0x80];
	_ =	sdelay $0x4  }
0x20: {  	v1 =	vadd.f32 v1, v2;
	_ =	sdelay $0x1  }
0x21: {  	v2 =	vld [tilespmem:s18+$0x90];
	[tilespmem:s18+$0x80] =	vst v1  }
0x22: {  	v1 =	vld.idx.msk [tilespmem:v0+s31+$0x10 ss:$0x1], $0xffff;
	_ =	sdelay $0x4  }
0x23: {  	v1 =	vadd.f32 v1, v2;
	_ =	sdelay $0x1  }
0x24: {  	v2 =	vld [tilespmem:s18+$0xA0];
	[tilespmem:s18+$0x90] =	vst v1  }
0x25: {  	v1 =	vld.idx.msk [tilespmem:v0+s31+$0x20 ss:$0x1], $0xffff;
	_ =	sdelay $0x4  }
0x26: {  	v1 =	vadd.f32 v1, v2;
	_ =	sdelay $0x1  }
0x27: {  	v2 =	vld [tilespmem:s18+$0xB0];
	[tilespmem:s18+$0xA0] =	vst v1  }
0x28: {  	v1 =	vld.idx.msk [tilespmem:v0+s31+$0x30 ss:$0x1], $0xffff;
	_ =	sdelay $0x4  }
0x29: {  	v1 =	vadd.f32 v1, v2;
	_ =	sdelay $0x1  }
0x2a: {  	v2 =	vld [tilespmem:s18+$0xC0];
	[tilespmem:s18+$0xB0] =	vst v1  }
0x2b: {  	v1 =	vld.idx.msk [tilespmem:v0+s31+$0x40 ss:$0x1], $0xffff;
	_ =	sdelay $0x4  }
0x2c: {  	v1 =	vadd.f32 v1, v2;
	_ =	sdelay $0x1  }
0x2d: {  	v2 =	vld [tilespmem:s18+$0xD0];
	[tilespmem:s18+$0xC0] =	vst v1  }
0x2e: {  	v1 =	vld.idx.msk [tilespmem:v0+s31+$0x50 ss:$0x1], $0xffff;
	_ =	sdelay $0x4  }
0x2f: {  	v1 =	vadd.f32 v1, v2;
	_ =	sdelay $0x1  }
0x30: {  	v2 =	vld [tilespmem:s18+$0xE0];
	[tilespmem:s18+$0xD0] =	vst v1  }
0x31: {  	v1 =	vld.idx.msk [tilespmem:v0+s31+$0x60 ss:$0x1], $0xffff;
	_ =	sdelay $0x4  }
0x32: {  	v1 =	vadd.f32 v1, v2;
	_ =	sdelay $0x1  }
0x33: {  	s20 =	sadd.s32 $0x1, s19;
	v2 =	vld [tilespmem:s18+$0xF0];
	[tilespmem:s18+$0xE0] =	vst v1  }
0x34: {  	s19 =	simm.s32 $0x200;
	s21 =	simm.s32 $0x400;
	s22 =	smulhi.u32 $0x51EB851F, s20;
	v1 =	vld.idx.msk [tilespmem:v0+s31+$0x70 ss:$0x1], $0xffff  }
.LBB2_3:
0x35: {  	p0 =	sne.s32 s21, $0xFE00  }
0x36: {  	s22 =	sshrl.u32 s22, $0x6  }
0x37: {  	s22 =	smul.u32 $0x19000, s22;
	_ =	sdelay $0x1  }
0x38: {  	s22 =	ssub.s32 s14, s22;
	v1 =	vadd.f32 v1, v2  }
0x39: {  	s22 =	sadd.s32 s22, s19  }
0x3a: {  	s22 =	sshra.s32 s22, $0x2;
	[tilespmem:s18+$0xF0] =	vst v1  }
0x3b: {  	s18 =	sshra.s32 s19, $0x2;
	s19 =	smov.u32 s21;
	v1 =	vld.idx.msk [tilespmem:v0+s22+$0x0 ss:$0x1], $0xffff  }
0x3c: {  	v2 =	vld [tilespmem:s18+$0x80];
	_ =	sdelay $0x4  }
0x3d: {  	v1 =	vadd.f32 v1, v2;
	_ =	sdelay $0x1  }
0x3e: {  	[tilespmem:s18+$0x80] =	vst v1  }
0x3f: {  	v1 =	vld.idx.msk [tilespmem:v0+s22+$0x10 ss:$0x1], $0xffff  }
0x40: {  	v2 =	vld [tilespmem:s18+$0x90];
	_ =	sdelay $0x4  }
0x41: {  	v1 =	vadd.f32 v1, v2;
	_ =	sdelay $0x1  }
0x42: {  	[tilespmem:s18+$0x90] =	vst v1  }
0x43: {  	v1 =	vld.idx.msk [tilespmem:v0+s22+$0x20 ss:$0x1], $0xffff  }
0x44: {  	v2 =	vld [tilespmem:s18+$0xA0];
	_ =	sdelay $0x4  }
0x45: {  	v1 =	vadd.f32 v1, v2;
	_ =	sdelay $0x1  }
0x46: {  	[tilespmem:s18+$0xA0] =	vst v1  }
0x47: {  	v1 =	vld.idx.msk [tilespmem:v0+s22+$0x30 ss:$0x1], $0xffff  }
0x48: {  	v2 =	vld [tilespmem:s18+$0xB0];
	_ =	sdelay $0x4  }
0x49: {  	v1 =	vadd.f32 v1, v2;
	_ =	sdelay $0x1  }
0x4a: {  	[tilespmem:s18+$0xB0] =	vst v1  }
0x4b: {  	v1 =	vld.idx.msk [tilespmem:v0+s22+$0x40 ss:$0x1], $0xffff  }
0x4c: {  	v2 =	vld [tilespmem:s18+$0xC0];
	_ =	sdelay $0x4  }
0x4d: {  	v1 =	vadd.f32 v1, v2;
	_ =	sdelay $0x1  }
0x4e: {  	[tilespmem:s18+$0xC0] =	vst v1  }
0x4f: {  	v1 =	vld.idx.msk [tilespmem:v0+s22+$0x50 ss:$0x1], $0xffff  }
0x50: {  	v2 =	vld [tilespmem:s18+$0xD0];
	_ =	sdelay $0x4  }
0x51: {  	v1 =	vadd.f32 v1, v2;
	_ =	sdelay $0x1  }
0x52: {  	[tilespmem:s18+$0xD0] =	vst v1  }
0x53: {  	v1 =	vld.idx.msk [tilespmem:v0+s22+$0x60 ss:$0x1], $0xffff  }
0x54: {  	v2 =	vld [tilespmem:s18+$0xE0];
	_ =	sdelay $0x4  }
.Ltmp0:
0x55: {  	v1 =	vadd.f32 v1, v2;
	(pc) =	sbr.rel @p0 .LBB2_3-.Ltmp0, $4  }
0x56: {  	_ = 	snop  }
0x57: {  	[tilespmem:s18+$0xE0] =	vst v1  }
0x58: {  	s20 =	sadd.s32 $0x1, s20;
	v1 =	vld.idx.msk [tilespmem:v0+s22+$0x70 ss:$0x1], $0xffff  }
0x59: {  	s21 =	sadd.s32 $0x200, s21;
	s22 =	smulhi.u32 $0x51EB851F, s20;
	v2 =	vld [tilespmem:s18+$0xF0]  }
0x5a: {  	_ = 	snop  }
0x5b: {  	s20 =	sshrl.u32 s22, $0x6  }
0x5c: {  	s20 =	smul.u32 $0x19000, s20;
	_ =	sdelay $0x1  }
0x5d: {  	s20 =	ssub.s32 s14, s20;
	v1 =	vadd.f32 v1, v2  }
0x5e: {  	s20 =	sadd.s32 s20, s19  }
0x5f: {  	s20 =	sshra.s32 s20, $0x2;
	[tilespmem:s18+$0xF0] =	vst v1  }
0x60: {  	s31 =	sshra.s32 s19, $0x2;
	v1 =	vld.idx.msk [tilespmem:v0+s20+$0x0 ss:$0x1], $0xffff  }
0x61: {  	v55 =	vld [tilespmem:s31+$0x80];
	_ =	sdelay $0x4  }
0x62: {  	v1 =	vadd.f32 v1, v55;
	_ =	sdelay $0x1  }
0x63: {  	v56 =	vld [tilespmem:s31+$0x90];
	[tilespmem:s31+$0x80] =	vst v1  }
0x64: {  	v1 =	vld.idx.msk [tilespmem:v0+s20+$0x10 ss:$0x1], $0xffff;
	_ =	sdelay $0x4  }
0x65: {  	v1 =	vadd.f32 v1, v56;
	_ =	sdelay $0x1  }
0x66: {  	v57 =	vld [tilespmem:s31+$0xA0];
	[tilespmem:s31+$0x90] =	vst v1  }
0x67: {  	v1 =	vld.idx.msk [tilespmem:v0+s20+$0x20 ss:$0x1], $0xffff;
	_ =	sdelay $0x4  }
0x68: {  	v1 =	vadd.f32 v1, v57;
	_ =	sdelay $0x1  }
0x69: {  	v58 =	vld [tilespmem:s31+$0xB0];
	[tilespmem:s31+$0xA0] =	vst v1  }
0x6a: {  	v1 =	vld.idx.msk [tilespmem:v0+s20+$0x30 ss:$0x1], $0xffff;
	_ =	sdelay $0x4  }
0x6b: {  	v1 =	vadd.f32 v1, v58;
	_ =	sdelay $0x1  }
0x6c: {  	v59 =	vld [tilespmem:s31+$0xC0];
	[tilespmem:s31+$0xB0] =	vst v1  }
0x6d: {  	v1 =	vld.idx.msk [tilespmem:v0+s20+$0x40 ss:$0x1], $0xffff;
	_ =	sdelay $0x4  }
0x6e: {  	v1 =	vadd.f32 v1, v59;
	_ =	sdelay $0x1  }
0x6f: {  	v60 =	vld [tilespmem:s31+$0xD0];
	[tilespmem:s31+$0xC0] =	vst v1  }
0x70: {  	v1 =	vld.idx.msk [tilespmem:v0+s20+$0x50 ss:$0x1], $0xffff;
	_ =	sdelay $0x4  }
0x71: {  	v1 =	vadd.f32 v1, v60;
	_ =	sdelay $0x1  }
0x72: {  	v61 =	vld [tilespmem:s31+$0xE0];
	[tilespmem:s31+$0xD0] =	vst v1  }
0x73: {  	v1 =	vld.idx.msk [tilespmem:v0+s20+$0x60 ss:$0x1], $0xffff;
	_ =	sdelay $0x4  }
0x74: {  	v1 =	vadd.f32 v1, v61;
	_ =	sdelay $0x1  }
0x75: {  	v63 =	vld [tilespmem:s31+$0xF0];
	[tilespmem:s31+$0xE0] =	vst v1  }
0x76: {  	v62 =	vld.idx.msk [tilespmem:v0+s20+$0x70 ss:$0x1], $0xffff;
	_ =	sdelay $0x4  }
0x77: {  	s16 =	sadd.s32 $0x1, s16;
	v0 =	vadd.f32 v62, v63  }
0x78: {  	s17 =	sshll.u32 s17, $0x4;
	p0 =	sne.s32 s16, $0x32  }
.Ltmp1:
0x79: {  	s17 =	sadd.s32 s4, s17;
	[tilespmem:s31+$0xF0] =	vst v0;
	(pc) =	sbr.rel @p0 .LBB2_2-.Ltmp1, $4  }
0x7a: {  	[hbm4b:s17+s5] =	stream.linear.scatter [tilespmem:s11], [sflag:$0x2], $0x4000, $0x38;
	[tilespmem:$0xA480] =	vst v63  }
0x7b: {  	_ =	swait.ge [sflag:s10], $0x4000  }
0x7c: {  	[sflag:s10] =	ssyncset.done $0x0  }
0x7d: {  	s15 =	sadd.s32 $0x80, s15;
	s14 =	sadd.s32 $0x10000, s14;
	[sflag:s10] =	ssyncadd.s32 $0xFFFFC000  }
0x7e: {  	s13 =	sadd.s32 $0x1, s13  }
0x7f: {  	p0 =	sne.s32 s13, s8  }
.Ltmp2:
0x80: {  	_ = 	snop;
	(pc) =	sbr.rel @p0 .LBB2_1-.Ltmp2, $1  }
0x81: {  	_ =	sdelay $0x3  }
0x82: {  	_ =	sfence.sel $0x180000  }
0x83: {  	[bflag:$0x0] =	sbarrier.arrive $0xFFFF  }
0x84: {  	p0 =	sne.s32 s3, $0x0;
	_ =	strace $0x90000047  }
0x85: {  	s0 =	sadd.s32 @!p0 $0x100000, s0;
	[bflag:$0x2] =	sbarrier.arrive $0xFFFF  }
0x86: {  	[sflag:s0] =	ssyncadd.tile.s32 @!p0 $0x1;
	_ =	shalt  }
.Lfunc_end2:
_tile_overlayer_lowered:
.L_overlay_start_2:
0x87: {  	(tag) =	ssettag $0x2  }
0x88: {  	s0 =	rddreg [dreg:$0x0];
	s2 =	stileid.u32  }
0x89: {  	s1 =	rddreg [dreg:$0x1];
	p0 =	sne.s32 s2, $0x0  }
0x8a: {  	s3 =	rddreg [dreg:$0x2];
	[bflag:$0x3] =	sbarrier.arrive $0xFFFF;
	s2 =	simm.s32 @!p0 $0x1C02  }
0x8b: {  	[timem:s3], [sflag:s2] =	dma.local @!p0 [hbm:s0], s1  }
0x8c: {  	s0 =	simm.s32 @!p0 $0x2  }
0x8d: {  	_ =	swait.ge @!p0 [sflag:s0], s1  }
0x8e: {  	s1 =	ssub.s32 @!p0 $0x0, s1;
	[sflag:s0] =	ssyncset.done @!p0 $0x0  }
0x8f: {  	[sflag:s0] =	ssyncadd.s32 @!p0 s1  }
0x90: {  	[bflag:$0x3] =	sbarrier.arrive $0xFFFF  }
0x91: {  	_ =	shalt  }

</sc_bundles>
